<compile_context>
chip_gen: v7x
topology: tpu7x:2x2x1
jax: 0.10.2.dev20260603
libtpu: 0.0.44.dev20260713+nightly
codegen_flags: <defaults>
</compile_context>

<pallas_src>
import functools

import jax
import jax.numpy as jnp
import numpy as np
from jax.experimental import pallas as pl
from jax.experimental.pallas import tpu as pltpu

_LEVELS = (8, 8, 8, 6, 5)
_CD = len(_LEVELS)
_CPAD = 8

def _grid_consts():
    vmin, inv_step, lmax, hw, basis = [], [], [], [], []
    prod = 1
    for lv in _LEVELS:
        if lv % 2 == 1:
            vmin.append(-0.5)
            inv_step.append(float(lv - 1))
        else:
            vmin.append(-0.5)
            inv_step.append(float(lv))
        lmax.append(float(lv - 1))
        hw.append(float(lv // 2))
        basis.append(float(prod))
        prod *= lv
    for _ in range(_CPAD - _CD):
        vmin.append(0.0)
        inv_step.append(1.0)
        lmax.append(0.0)
        hw.append(0.0)
        basis.append(0.0)
    step = [1.0 / s if s else 0.0 for s in inv_step]
    wrow = [2.0 * h * bb for h, bb in zip(hw, basis)]
    rows = np.zeros((8, _CPAD), np.float32)
    for i, r in enumerate((vmin, inv_step, lmax, hw, basis, step, wrow)):
        rows[i] = r
    rows[5, _CD:] = 0.0
    return rows, float(sum(h * bb for h, bb in zip(hw, basis)))


_GRID_CONSTS, _CODE_BIAS = _grid_consts()


def _body(z_ref, win_ref, bin_ref, wout_ref, bout_ref, c_ref,
          out_ref, idx_ref, loss_ref):
    z = z_ref[...]
    zp = jnp.dot(z, win_ref[...], preferred_element_type=jnp.float32)
    zp = zp + bin_ref[...]

    c = c_ref[...]
    vmin, inv_step, lmax = c[0][None, :], c[1][None, :], c[2][None, :]
    step = c[5][None, :]

    t = (zp - vmin) * inv_step
    idx = jnp.clip(jnp.ceil(t - 0.5), 0.0, lmax)
    q = vmin + idx * step

    quantized = zp + (q - zp)

    codes = jax.lax.dot_general(c[6:7], quantized, (((1,), (1,)), ((), ())),
                                preferred_element_type=jnp.float32)
    idx_ref[...] = (codes + _CODE_BIAS)[None]

    diff = zp - quantized
    loss_ref[...] = jnp.sum(diff * diff, axis=0)[None, None, :]

    out = jnp.dot(quantized, wout_ref[...], preferred_element_type=jnp.float32)
    out_ref[...] = out + bout_ref[...]


from jax.experimental.pallas import tpu_sc as plsc


def _sc_copy(z_hbm, out_hbm, buf, sem):
    wid = jax.lax.axis_index("s") * 2 + jax.lax.axis_index("c")
    base = 12288 + wid * 128
    pltpu.async_copy(z_hbm.at[pl.ds(base, 128)], buf, sem).wait()
    pltpu.async_copy(buf, out_hbm.at[pl.ds(wid * 128, 128)], sem).wait()


def kernel(z, W_in, b_in, W_out, b_out, v0, v1, v2, v3, v4):
    b, n, dim = z.shape
    rows = b * n
    R = 2048
    G = 6
    zf = z.reshape(rows, dim)

    mesh = plsc.VectorSubcoreMesh(core_axis_name="c", subcore_axis_name="s")
    sc_out = pl.kernel(
        _sc_copy,
        out_type=jax.ShapeDtypeStruct((4096, dim), jnp.float32),
        mesh=mesh,
        scratch_types=[pltpu.VMEM((128, dim), jnp.float32),
                       pltpu.SemaphoreType.DMA],
    )(zf)

    win = jnp.zeros((dim, _CPAD), jnp.float32).at[:, :_CD].set(W_in.T)
    binp = jnp.zeros((1, _CPAD), jnp.float32).at[0, :_CD].set(b_in)
    wout = jnp.zeros((_CPAD, dim), jnp.float32).at[:_CD, :].set(W_out.T)
    boutp = b_out.reshape(1, dim)

    out, codes, losspart = pl.pallas_call(
        _body,
        grid=(G,),
        in_specs=[
            pl.BlockSpec((R, dim), lambda i: (i, 0)),
            pl.BlockSpec((dim, _CPAD), lambda i: (0, 0)),
            pl.BlockSpec((1, _CPAD), lambda i: (0, 0)),
            pl.BlockSpec((_CPAD, dim), lambda i: (0, 0)),
            pl.BlockSpec((1, dim), lambda i: (0, 0)),
            pl.BlockSpec((8, _CPAD), lambda i: (0, 0)),
        ],
        out_specs=[
            pl.BlockSpec((R, dim), lambda i: (i, 0)),
            pl.BlockSpec((1, 1, R), lambda i: (i, 0, 0)),
            pl.BlockSpec((1, 1, _CPAD), lambda i: (i, 0, 0)),
        ],
        out_shape=[
            jax.ShapeDtypeStruct((G * R, dim), jnp.float32),
            jax.ShapeDtypeStruct((G, 1, R), jnp.float32),
            jax.ShapeDtypeStruct((G, 1, _CPAD), jnp.float32),
        ],
        compiler_params=pltpu.CompilerParams(
            dimension_semantics=("parallel",)),
    )(zf, win, binp, wout, boutp, jnp.asarray(_GRID_CONSTS))

    indices = codes.reshape(b, n * G * R // rows)
    m = jnp.sum(losspart) / (rows * _CD)
    loss = 0.1 * m + 0.1 * m
    return out, sc_out, indices, loss

# --- scband reference (transcript-rebuilt; emitter-appended) ---
"""Pipeline reference for scband-latent-quantize-1726576854530 (READ-ONLY COPY).

The authoritative reference and input builder live on the scoring server;
editing this copy changes nothing except your own understanding.
"""

import jax, jax.numpy as jnp
import numpy as np

LEVELS = [8, 8, 8, 6, 5]
DIM = 768
B, N = 16, 1024


def _values_for_level(level):
    # mirrors torch: linspace(-0.5, 0.5, level) if odd else arange(level)/level - 0.5
    if level % 2 == 1:
        return jnp.linspace(-0.5, 0.5, level)
    return jnp.arange(level) / level - 0.5


def setup_inputs(seed: int = 0) -> dict:
    key = jax.random.key(seed)
    ks = jax.random.split(key, 4)
    cd = len(LEVELS)
    inp = {
        "z": jax.random.normal(ks[0], (B, N, DIM), dtype=jnp.float32),
        # project_in: Linear(DIM -> cd); torch weight layout [out, in]
        "W_in": jax.random.normal(ks[1], (cd, DIM), dtype=jnp.float32) * (1.0 / np.sqrt(DIM)),
        "b_in": jnp.zeros((cd,), dtype=jnp.float32),
        # project_out: Linear(cd -> DIM)
        "W_out": jax.random.normal(ks[2], (DIM, cd), dtype=jnp.float32) * (1.0 / np.sqrt(cd)),
        "b_out": jnp.zeros((DIM,), dtype=jnp.float32),
    }
    for i, lv in enumerate(LEVELS):
        inp[f"v{i}"] = _values_for_level(lv).astype(jnp.float32)
    return inp


def reference(z, W_in, b_in, W_out, b_out, v0, v1, v2, v3, v4):
    values = [v0, v1, v2, v3, v4]
    cd = len(LEVELS)
    levels = jnp.array(LEVELS, dtype=jnp.int32)
    basis = jnp.concatenate([jnp.array([1], dtype=jnp.int32), jnp.cumprod(levels[:-1])])
    b, n = z.shape[0], z.shape[1]
    # project in: [B, N, DIM] -> [B, N, cd]
    zp = z @ W_in.T + b_in
    # rearrange 'b n (c d) -> b n c d' with c = num_codebooks = 1
    zp = zp.reshape(b, n, 1, cd)
    # quantize: per-latent-dim nearest codebook value (argmin of |z - v|)
    qs = []
    for i in range(cd):
        d = jnp.abs(zp[..., i, None] - values[i])
        idx = jnp.argmin(d, axis=-1)
        qs.append(values[i][idx])
    q = jnp.stack(qs, axis=-1)
    # straight-through estimator: quantize = z + (q - z).detach()
    quantized = zp + jax.lax.stop_gradient(q - zp)
    # losses (mse with detach patterns matching torch)
    commitment = jnp.mean((jax.lax.stop_gradient(zp) - quantized) ** 2)
    quantization = jnp.mean((jax.lax.stop_gradient(quantized) - zp) ** 2)
    # codes_to_indices: scale/shift to [0, level) then dot with basis
    half_width = levels // 2
    scaled = quantized * 2 * half_width + half_width
    indices = jnp.sum(scaled * basis, axis=-1)  # [B, N, 1]
    indices = indices[..., 0]  # keep_num_codebooks_dim=False -> squeeze
    # project out: 'b n c d -> b n (c d)' then Linear(cd -> DIM)
    out = quantized.reshape(b, n, cd) @ W_out.T + b_out
    loss = 0.1 * commitment + 0.1 * quantization
    return out, indices, loss

if __name__ == "__main__":
    import jax
    _d = setup_inputs()
    print(jax.jit(kernel)(*tuple(_d.values())))

</pallas_src>

<mosaic_0001>
#map = affine_map<(d0, d1) -> (0, 0)>
module attributes {stable_mosaic.version = 14 : i64} {
  func.func @_sc_copy(%arg0: i32, %arg1: i32, %arg2: memref<16384x768xf32, #tpu.memory_space<hbm>>, %arg3: memref<4096x768xf32, #tpu.memory_space<hbm>>, %arg4: memref<128x768xf32, #tpu.memory_space<vmem>>, %arg5: memref<!tpu.dma_semaphore, #tpu.memory_space<semaphore_mem>>) attributes {dimension_semantics = [#tpu.dimension_semantics<core_parallel>, #tpu.dimension_semantics<subcore_parallel>], iteration_bounds = array<i64: 2, 16>, scalar_prefetch = 0 : i64, scratch_operands = 2 : i64, tpu.core_type = #tpu.core_type<sc_vector_subcore>, window_params = [{transform_indices = #map}, {transform_indices = #map}]} {
    %mul3A = arith.constant 2 : i32
    %mul3A_0 = arith.muli %arg1, %mul3A : i32
    %add3A = arith.addi %mul3A_0, %arg0 : i32
    %mul3A_1 = arith.constant 128 : i32
    %mul3A_2 = arith.muli %add3A, %mul3A_1 : i32
    %add3A_3 = arith.constant 12288 : i32
    %add3A_4 = arith.addi %add3A_3, %mul3A_2 : i32
    %dma_start3A = arith.constant 0 : i32
    %dma_start3A_5 = tpu.memref_slice %arg2[%add3A_4, %dma_start3A] : memref<16384x768xf32, #tpu.memory_space<hbm>> -> memref<128x768xf32, #tpu.memory_space<hbm>>
    %dma_start3A_6 = arith.constant 0 : i32
    %dma_start3A_7 = tpu.memref_slice %arg2[%add3A_4, %dma_start3A_6] : memref<16384x768xf32, #tpu.memory_space<hbm>> -> memref<128x768xf32, #tpu.memory_space<hbm>>
    tpu.enqueue_dma source(%dma_start3A_7 : memref<128x768xf32, #tpu.memory_space<hbm>>) target(%arg4 : memref<128x768xf32, #tpu.memory_space<vmem>>) target_semaphore(%arg5 : memref<!tpu.dma_semaphore, #tpu.memory_space<semaphore_mem>>)
    %dma_wait3A = arith.constant 0 : i32
    %dma_wait3A_8 = tpu.memref_slice %arg2[%add3A_4, %dma_wait3A] : memref<16384x768xf32, #tpu.memory_space<hbm>> -> memref<128x768xf32, #tpu.memory_space<hbm>>
    %dma_wait3A_9 = arith.constant 0 : i32
    %dma_wait3A_10 = tpu.memref_slice %arg2[%add3A_4, %dma_wait3A_9] : memref<16384x768xf32, #tpu.memory_space<hbm>> -> memref<128x768xf32, #tpu.memory_space<hbm>>
    tpu.wait_dma2 semaphore(%arg5 : memref<!tpu.dma_semaphore, #tpu.memory_space<semaphore_mem>>) src(%dma_wait3A_10 : memref<128x768xf32, #tpu.memory_space<hbm>>) dst(%arg4 : memref<128x768xf32, #tpu.memory_space<vmem>>)
    %mul3A_11 = arith.constant 128 : i32
    %mul3A_12 = arith.muli %add3A, %mul3A_11 : i32
    %dma_start3A_13 = arith.constant 0 : i32
    %dma_start3A_14 = tpu.memref_slice %arg3[%mul3A_12, %dma_start3A_13] : memref<4096x768xf32, #tpu.memory_space<hbm>> -> memref<128x768xf32, #tpu.memory_space<hbm>>
    %dma_start3A_15 = arith.constant 0 : i32
    %dma_start3A_16 = tpu.memref_slice %arg3[%mul3A_12, %dma_start3A_15] : memref<4096x768xf32, #tpu.memory_space<hbm>> -> memref<128x768xf32, #tpu.memory_space<hbm>>
    tpu.enqueue_dma source(%arg4 : memref<128x768xf32, #tpu.memory_space<vmem>>) target(%dma_start3A_16 : memref<128x768xf32, #tpu.memory_space<hbm>>) target_semaphore(%arg5 : memref<!tpu.dma_semaphore, #tpu.memory_space<semaphore_mem>>)
    %dma_wait3A_17 = arith.constant 0 : i32
    %dma_wait3A_18 = tpu.memref_slice %arg3[%mul3A_12, %dma_wait3A_17] : memref<4096x768xf32, #tpu.memory_space<hbm>> -> memref<128x768xf32, #tpu.memory_space<hbm>>
    %dma_wait3A_19 = arith.constant 0 : i32
    %dma_wait3A_20 = tpu.memref_slice %arg3[%mul3A_12, %dma_wait3A_19] : memref<4096x768xf32, #tpu.memory_space<hbm>> -> memref<128x768xf32, #tpu.memory_space<hbm>>
    tpu.wait_dma2 semaphore(%arg5 : memref<!tpu.dma_semaphore, #tpu.memory_space<semaphore_mem>>) src(%arg4 : memref<128x768xf32, #tpu.memory_space<vmem>>) dst(%dma_wait3A_20 : memref<128x768xf32, #tpu.memory_space<hbm>>)
    return
  }
}

module attributes {stable_mosaic.version = 14 : i64} {
  func.func @_body(%arg0: i32, %arg1: memref<2048x768xf32, #tpu.memory_space<vmem>>, %arg2: memref<768x8xf32, #tpu.memory_space<vmem>>, %arg3: memref<1x8xf32, #tpu.memory_space<vmem>>, %arg4: memref<8x768xf32, #tpu.memory_space<vmem>>, %arg5: memref<1x768xf32, #tpu.memory_space<vmem>>, %arg6: memref<8x8xf32, #tpu.memory_space<vmem>>, %arg7: memref<2048x768xf32, #tpu.memory_space<vmem>>, %arg8: memref<1x1x2048xf32, #tpu.memory_space<vmem>>, %arg9: memref<1x1x8xf32, #tpu.memory_space<vmem>>) attributes {dimension_semantics = [#tpu.dimension_semantics<parallel>], iteration_bounds = array<i64: 6>, scalar_prefetch = 0 : i64, scratch_operands = 0 : i64, tpu.core_type = #tpu.core_type<tc>, window_params = [{transform_indices = @transform_0, window_bounds = array<i64: 2048, 768>}, {pipeline_mode = #tpu.pipeline_mode<synchronous>, transform_indices = @transform_1, window_bounds = array<i64: 768, 8>}, {pipeline_mode = #tpu.pipeline_mode<synchronous>, transform_indices = @transform_2, window_bounds = array<i64: 1, 8>}, {pipeline_mode = #tpu.pipeline_mode<synchronous>, transform_indices = @transform_3, window_bounds = array<i64: 8, 768>}, {pipeline_mode = #tpu.pipeline_mode<synchronous>, transform_indices = @transform_4, window_bounds = array<i64: 1, 768>}, {pipeline_mode = #tpu.pipeline_mode<synchronous>, transform_indices = @transform_5, window_bounds = array<i64: 8, 8>}, {transform_indices = @transform_6, window_bounds = array<i64: 2048, 768>}, {transform_indices = @transform_7, window_bounds = array<i64: 1, 1, 2048>}, {transform_indices = @transform_8, window_bounds = array<i64: 1, 1, 8>}]} {
    %get3A = arith.constant 0 : index
    %get3A_0 = arith.constant 0 : index
    %get3A_1 = vector.load %arg1[%get3A, %get3A_0] : memref<2048x768xf32, #tpu.memory_space<vmem>>, vector<2048x768xf32>
    %get3A_2 = arith.constant 0 : index
    %get3A_3 = arith.constant 0 : index
    %get3A_4 = vector.load %arg2[%get3A_2, %get3A_3] : memref<768x8xf32, #tpu.memory_space<vmem>>, vector<768x8xf32>
    %dot_general3A = arith.constant dense<0.000000e+00> : vector<2048x8xf32>
    %dot_general3A_5 = tpu.matmul %get3A_1, %get3A_4, %dot_general3A {dimension_numbers = #tpu.dot_dimension_numbers<[1], [0], [0], [1], [0, 0, 1, 1], [], []>, transpose_lhs_hint = false} : vector<2048x768xf32>, vector<768x8xf32>, vector<2048x8xf32> -> vector<2048x8xf32>
    %get3A_6 = arith.constant 0 : index
    %get3A_7 = arith.constant 0 : index
    %get3A_8 = vector.load %arg3[%get3A_6, %get3A_7] : memref<1x8xf32, #tpu.memory_space<vmem>>, vector<1x8xf32>
    %add3A = vector.broadcast %get3A_8 : vector<1x8xf32> to vector<2048x8xf32>
    %add3A_9 = arith.addf %dot_general3A_5, %add3A : vector<2048x8xf32>
    %get3A_10 = arith.constant 0 : index
    %get3A_11 = arith.constant 0 : index
    %get3A_12 = vector.load %arg6[%get3A_10, %get3A_11] : memref<8x8xf32, #tpu.memory_space<vmem>>, vector<8x8xf32>
    %slice3A = vector.extract_strided_slice %get3A_12 {offsets = [0, 0], sizes = [1, 8], strides = [1, 1]} : vector<8x8xf32> to vector<1x8xf32>
    %squeeze3A = vector.shape_cast %slice3A : vector<1x8xf32> to vector<8xf32>
    %broadcast_in_dim3A = vector.shape_cast %squeeze3A : vector<8xf32> to vector<1x8xf32>
    %slice3A_13 = vector.extract_strided_slice %get3A_12 {offsets = [1, 0], sizes = [1, 8], strides = [1, 1]} : vector<8x8xf32> to vector<1x8xf32>
    %squeeze3A_14 = vector.shape_cast %slice3A_13 : vector<1x8xf32> to vector<8xf32>
    %broadcast_in_dim3A_15 = vector.shape_cast %squeeze3A_14 : vector<8xf32> to vector<1x8xf32>
    %slice3A_16 = vector.extract_strided_slice %get3A_12 {offsets = [2, 0], sizes = [1, 8], strides = [1, 1]} : vector<8x8xf32> to vector<1x8xf32>
    %squeeze3A_17 = vector.shape_cast %slice3A_16 : vector<1x8xf32> to vector<8xf32>
    %broadcast_in_dim3A_18 = vector.shape_cast %squeeze3A_17 : vector<8xf32> to vector<1x8xf32>
    %slice3A_19 = vector.extract_strided_slice %get3A_12 {offsets = [5, 0], sizes = [1, 8], strides = [1, 1]} : vector<8x8xf32> to vector<1x8xf32>
    %squeeze3A_20 = vector.shape_cast %slice3A_19 : vector<1x8xf32> to vector<8xf32>
    %broadcast_in_dim3A_21 = vector.shape_cast %squeeze3A_20 : vector<8xf32> to vector<1x8xf32>
    %sub3A = vector.broadcast %broadcast_in_dim3A : vector<1x8xf32> to vector<2048x8xf32>
    %sub3A_22 = arith.subf %add3A_9, %sub3A : vector<2048x8xf32>
    %mul3A = vector.broadcast %broadcast_in_dim3A_15 : vector<1x8xf32> to vector<2048x8xf32>
    %mul3A_23 = arith.mulf %sub3A_22, %mul3A : vector<2048x8xf32>
    %sub3A_24 = arith.constant 5.000000e-01 : f32
    %sub3A_25 = vector.broadcast %sub3A_24 : f32 to vector<2048x8xf32>
    %sub3A_26 = arith.subf %mul3A_23, %sub3A_25 : vector<2048x8xf32>
    %ceil3A = math.ceil %sub3A_26 : vector<2048x8xf32>
    %jit3A = arith.constant 0.000000e+00 : f32
    %max3A = vector.broadcast %jit3A : f32 to vector<2048x8xf32>
    %max3A_27 = arith.maximumf %max3A, %ceil3A : vector<2048x8xf32>
    %min3A = vector.broadcast %broadcast_in_dim3A_18 : vector<1x8xf32> to vector<2048x8xf32>
    %min3A_28 = arith.minimumf %min3A, %max3A_27 : vector<2048x8xf32>
    %mul3A_29 = vector.broadcast %broadcast_in_dim3A_21 : vector<1x8xf32> to vector<2048x8xf32>
    %mul3A_30 = arith.mulf %min3A_28, %mul3A_29 : vector<2048x8xf32>
    %add3A_31 = vector.broadcast %broadcast_in_dim3A : vector<1x8xf32> to vector<2048x8xf32>
    %add3A_32 = arith.addf %add3A_31, %mul3A_30 : vector<2048x8xf32>
    %sub3A_33 = arith.subf %add3A_32, %add3A_9 : vector<2048x8xf32>
    %add3A_34 = arith.addf %add3A_9, %sub3A_33 : vector<2048x8xf32>
    %slice3A_35 = vector.extract_strided_slice %get3A_12 {offsets = [6, 0], sizes = [1, 8], strides = [1, 1]} : vector<8x8xf32> to vector<1x8xf32>
    %dot_general3A_36 = arith.constant dense<0.000000e+00> : vector<1x2048xf32>
    %dot_general3A_37 = tpu.matmul %slice3A_35, %add3A_34, %dot_general3A_36 {dimension_numbers = #tpu.dot_dimension_numbers<[1], [1], [0], [0], [0, 0, 1, 0], [], []>, transpose_lhs_hint = false} : vector<1x8xf32>, vector<2048x8xf32>, vector<1x2048xf32> -> vector<1x2048xf32>
    %add3A_38 = arith.constant 7.972000e+03 : f32
    %add3A_39 = vector.broadcast %add3A_38 : f32 to vector<1x2048xf32>
    %add3A_40 = arith.addf %dot_general3A_37, %add3A_39 : vector<1x2048xf32>
    %broadcast_in_dim3A_41 = vector.shape_cast %add3A_40 : vector<1x2048xf32> to vector<1x1x2048xf32>
    %swap3A = arith.constant 0 : index
    %swap3A_42 = arith.constant 0 : index
    %swap3A_43 = arith.constant 0 : index
    %swap3A_44 = vector.load %arg8[%swap3A, %swap3A_42, %swap3A_43] : memref<1x1x2048xf32, #tpu.memory_space<vmem>>, vector<1x1x2048xf32>
    tpu.vector_store %arg8[%swap3A, %swap3A_42, %swap3A_43], %broadcast_in_dim3A_41 {strides = array<i32>} : memref<1x1x2048xf32, #tpu.memory_space<vmem>>, vector<1x1x2048xf32>,
    %sub3A_45 = arith.subf %add3A_9, %add3A_34 : vector<2048x8xf32>
    %mul3A_46 = arith.mulf %sub3A_45, %sub3A_45 : vector<2048x8xf32>
    %reduce_sum3A = arith.constant dense<0.000000e+00> : vector<8xf32>
    %reduce_sum3A_47 = vector.multi_reduction <add>, %mul3A_46, %reduce_sum3A [0] : vector<2048x8xf32> to vector<8xf32>
    %broadcast_in_dim3A_48 = vector.shape_cast %reduce_sum3A_47 : vector<8xf32> to vector<1x1x8xf32>
    %swap3A_49 = arith.constant 0 : index
    %swap3A_50 = arith.constant 0 : index
    %swap3A_51 = arith.constant 0 : index
    %swap3A_52 = vector.load %arg9[%swap3A_49, %swap3A_50, %swap3A_51] : memref<1x1x8xf32, #tpu.memory_space<vmem>>, vector<1x1x8xf32>
    tpu.vector_store %arg9[%swap3A_49, %swap3A_50, %swap3A_51], %broadcast_in_dim3A_48 {strides = array<i32>} : memref<1x1x8xf32, #tpu.memory_space<vmem>>, vector<1x1x8xf32>,
    %get3A_53 = arith.constant 0 : index
    %get3A_54 = arith.constant 0 : index
    %get3A_55 = vector.load %arg4[%get3A_53, %get3A_54] : memref<8x768xf32, #tpu.memory_space<vmem>>, vector<8x768xf32>
    %dot_general3A_56 = arith.constant dense<0.000000e+00> : vector<2048x768xf32>
    %dot_general3A_57 = tpu.matmul %add3A_34, %get3A_55, %dot_general3A_56 {dimension_numbers = #tpu.dot_dimension_numbers<[1], [0], [0], [1], [0, 0, 1, 1], [], []>, transpose_lhs_hint = false} : vector<2048x8xf32>, vector<8x768xf32>, vector<2048x768xf32> -> vector<2048x768xf32>
    %get3A_58 = arith.constant 0 : index
    %get3A_59 = arith.constant 0 : index
    %get3A_60 = vector.load %arg5[%get3A_58, %get3A_59] : memref<1x768xf32, #tpu.memory_space<vmem>>, vector<1x768xf32>
    %add3A_61 = vector.broadcast %get3A_60 : vector<1x768xf32> to vector<2048x768xf32>
    %add3A_62 = arith.addf %dot_general3A_57, %add3A_61 : vector<2048x768xf32>
    %swap3A_63 = arith.constant 0 : index
    %swap3A_64 = arith.constant 0 : index
    %swap3A_65 = vector.load %arg7[%swap3A_63, %swap3A_64] : memref<2048x768xf32, #tpu.memory_space<vmem>>, vector<2048x768xf32>
    tpu.vector_store %arg7[%swap3A_63, %swap3A_64], %add3A_62 {strides = array<i32>} : memref<2048x768xf32, #tpu.memory_space<vmem>>, vector<2048x768xf32>,
    return
  }
  func.func @transform_0(%arg0: i32) -> (i32, i32) {
    %c0_i32 = arith.constant 0 : i32
    %c0_i32_0 = arith.constant 0 : i32
    return %arg0, %c0_i32 : i32, i32
  }
  func.func @transform_1(%arg0: i32) -> (i32, i32) {
    %c0_i32 = arith.constant 0 : i32
    %c0_i32_0 = arith.constant 0 : i32
    %c0_i32_1 = arith.constant 0 : i32
    return %c0_i32, %c0_i32_0 : i32, i32
  }
  func.func @transform_2(%arg0: i32) -> (i32, i32) {
    %c0_i32 = arith.constant 0 : i32
    %c0_i32_0 = arith.constant 0 : i32
    %c0_i32_1 = arith.constant 0 : i32
    return %c0_i32, %c0_i32_0 : i32, i32
  }
  func.func @transform_3(%arg0: i32) -> (i32, i32) {
    %c0_i32 = arith.constant 0 : i32
    %c0_i32_0 = arith.constant 0 : i32
    %c0_i32_1 = arith.constant 0 : i32
    return %c0_i32, %c0_i32_0 : i32, i32
  }
  func.func @transform_4(%arg0: i32) -> (i32, i32) {
    %c0_i32 = arith.constant 0 : i32
    %c0_i32_0 = arith.constant 0 : i32
    %c0_i32_1 = arith.constant 0 : i32
    return %c0_i32, %c0_i32_0 : i32, i32
  }
  func.func @transform_5(%arg0: i32) -> (i32, i32) {
    %c0_i32 = arith.constant 0 : i32
    %c0_i32_0 = arith.constant 0 : i32
    %c0_i32_1 = arith.constant 0 : i32
    return %c0_i32, %c0_i32_0 : i32, i32
  }
  func.func @transform_6(%arg0: i32) -> (i32, i32) {
    %c0_i32 = arith.constant 0 : i32
    %c0_i32_0 = arith.constant 0 : i32
    return %arg0, %c0_i32 : i32, i32
  }
  func.func @transform_7(%arg0: i32) -> (i32, i32, i32) {
    %c0_i32 = arith.constant 0 : i32
    %c0_i32_0 = arith.constant 0 : i32
    %c0_i32_1 = arith.constant 0 : i32
    return %arg0, %c0_i32, %c0_i32_0 : i32, i32, i32
  }
  func.func @transform_8(%arg0: i32) -> (i32, i32, i32) {
    %c0_i32 = arith.constant 0 : i32
    %c0_i32_0 = arith.constant 0 : i32
    %c0_i32_1 = arith.constant 0 : i32
    return %arg0, %c0_i32, %c0_i32_0 : i32, i32, i32
  }
}

</mosaic_0001>

<sc_bundles>
// kernel: kernel.4.cloned.1.call-start
scs
__scs_entry_jumppad:
0x0: {  	(pc) =	sbr.rel $0x88, $3  }
0x1: {  	(tag) =	ssettag $0x0;
	lr =	simm.s32 $0x1  }
0x2: {  	[smem:$0x3F9C] =	sst lr;
	_ =	strace $0xD0000000  }
0x3: {  	_ = 	snop  }
0x4: {  	_ = 	snop  }
0x5: {  	_ = 	snop  }
0x6: {  	_ = 	snop  }
0x7: {  	_ = 	snop  }
__scs_overlays_trampoline_lowered:
0x8: {  	[smem:$0x3FAB] =	sst s0  }
0x9: {  	[smem:$0x3FAC] =	sst s1  }
0xa: {  	[smem:$0x3FAD] =	sst s2  }
0xb: {  	[smem:$0x3FAE] =	sst s3  }
0xc: {  	[smem:$0x3FAF] =	sst s4  }
0xd: {  	[smem:$0x3FB0] =	sst s5  }
0xe: {  	[smem:$0x3FB1] =	sst s6  }
0xf: {  	[smem:$0x3FB2] =	sst s7  }
0x10: {  	[smem:$0x3FB3] =	sst s8  }
0x11: {  	[smem:$0x3FB4] =	sst s9;
	s0 =	simm.s32 @!p0 $0x0  }
0x12: {  	s1 =	sld [smem:$0x3F9A];
	s0 =	simm.s32 @p0 $0x1  }
0x13: {  	[smem:$0x3FB5] =	sst s0;
	s0 =	simm.s32 @!p1 $0x0  }
0x14: {  	s2 =	sld [smem:$0x3F99];
	s0 =	simm.s32 @p1 $0x1  }
0x15: {  	[smem:$0x3FB6] =	sst s0;
	s0 =	simm.s32 @!p2 $0x0  }
0x16: {  	s3 =	sld [smem:$0x3FDB];
	s0 =	simm.s32 @p2 $0x1  }
0x17: {  	s4 =	simm.s32 $0x1BF5;
	[smem:$0x3FB8] =	sst s0  }
0x18: {  	s0 =	sld [smem:$0x3F9B];
	_ =	swait.ge [sflag:s4], $0x0  }
0x19: {  	s7 =	sld [smem:$0x3F9C]  }
0x1a: {  	s8 =	sadd.s32 $0xFFFFE003, lr  }
0x1b: {  	s9 =	sadd.s32 $0xFFFFFEF7, lr;
	s5 =	simm.s32 $0xFFFFFFFF;
	p2 =	slt.u32 s8, $0xFFFFF086  }
0x1c: {  	p1 =	slt.u32 s9, $0xF7A;
	s5 =	simm.s32 @!p2 $0x0  }
0x1d: {  	s5 =	simm.s32 @p1 $0x1;
	p0 =	seq.s32 s7, s2  }
0x1e: {  	s7 =	smul.u32 @!p0 $0xF7A, s2;
	p2 =	seq.s32 @!p0 s5, $0x0  }
0x1f: {  	s9 =	smul.u32 $0xF7A, s1;
	s8 =	simm.s32 @!p0 $0x1BF5;
	p2 =	por !p2, p0  }
0x20: {  	[sflag:s8] =	ssyncset.s32 @!p0 $0xFFFFF086;
	s6 =	sadd.s32 @!p0 s3, s7;
	s7 =	simm.s32 @!p0 $0x108  }
0x21: {  	s3 =	sadd.s32 s3, s9;
	s6 =	sadd.s32 @!p0 $0x88, s6;
	s7 =	simm.s32 @p2 $0x1082  }
0x22: {  	[simem:s7], [sflag:s8] =	dma.local @!p0 [hbm:s6], $0xF7A  }
0x23: {  	s9 =	sor.u32 $0xD0000000, s2;
	s6 =	simm.s32 $0x108;
	_ =	swait.ge @!p0 [sflag:s8], $0x0  }
0x24: {  	s3 =	sadd.s32 $0x88, s3;
	s6 =	simm.s32 @!p1 $0x1082;
	[sflag:s4] =	ssyncset.s32 $0xFFFFF086  }
0x25: {  	[simem:s6], [sflag:s4] =	dma.local [hbm:s3], $0xF7A  }
0x26: {  	[smem:$0x3F9C] =	sst s1;
	(tag) =	ssettag s2;
	_ =	strace s9  }
0x27: {  	s1 =	sld [smem:$0x3FAC]  }
0x28: {  	s2 =	sld [smem:$0x3FAD]  }
0x29: {  	s4 =	sld [smem:$0x3FAF]  }
0x2a: {  	p0 =	seq.s32 s5, $0x0;
	s5 =	sld [smem:$0x3FB0]  }
0x2b: {  	s6 =	sld [smem:$0x3FB1]  }
0x2c: {  	s7 =	sld [smem:$0x3FB2]  }
0x2d: {  	s3 =	simm.s32 $0x108;
	s8 =	sld [smem:$0x3FB3]  }
0x2e: {  	s3 =	simm.s32 @!p0 $0x1082;
	s9 =	sld [smem:$0x3FB4]  }
0x2f: {  	lr =	sadd.s32 s0, s3;
	s0 =	sld [smem:$0x3FAB]  }
0x30: {  	s3 =	sld [smem:$0x3FAE]  }
0x31: {  	[smem:$0x3FB7] =	sst s10  }
0x32: {  	s10 =	sld [smem:$0x3FB5];
	_ =	sdelay $0x3  }
0x33: {  	p0 =	seq.s32 s10, $0x1;
	s10 =	sld [smem:$0x3FB7];
	_ =	sdelay $0x3  }
0x34: {  	[smem:$0x3FB7] =	sst s10  }
0x35: {  	s10 =	sld [smem:$0x3FB6];
	_ =	sdelay $0x3  }
0x36: {  	p1 =	seq.s32 s10, $0x1;
	s10 =	sld [smem:$0x3FB7];
	_ =	sdelay $0x3  }
0x37: {  	[smem:$0x3FB7] =	sst s10  }
0x38: {  	s10 =	sld [smem:$0x3FB8]  }
0x39: {  	_ = 	snop;
	(pc) =	sbr.ind lr, $3  }
0x3a: {  	_ = 	snop  }
0x3b: {  	_ = 	snop  }
0x3c: {  	p2 =	seq.s32 s10, $0x1;
	s10 =	sld [smem:$0x3FB7]  }
0x3d: {  	_ =	shalt  }
0x3e: {  	_ =	shalt  }
0x3f: {  	_ =	shalt  }
0x40: {  	_ =	shalt  }
0x41: {  	_ =	shalt  }
0x42: {  	_ =	shalt  }
0x43: {  	_ =	shalt  }
0x44: {  	_ =	shalt  }
0x45: {  	_ =	shalt  }
0x46: {  	_ =	shalt  }
0x47: {  	_ =	shalt  }
0x48: {  	_ =	shalt  }
0x49: {  	_ =	shalt  }
0x4a: {  	_ =	shalt  }
0x4b: {  	_ =	shalt  }
0x4c: {  	_ =	shalt  }
0x4d: {  	_ =	shalt  }
0x4e: {  	_ =	shalt  }
0x4f: {  	_ =	shalt  }
0x50: {  	_ =	shalt  }
0x51: {  	_ =	shalt  }
0x52: {  	_ =	shalt  }
0x53: {  	_ =	shalt  }
0x54: {  	_ =	shalt  }
0x55: {  	_ =	shalt  }
0x56: {  	_ =	shalt  }
0x57: {  	_ =	shalt  }
0x58: {  	_ =	shalt  }
0x59: {  	_ =	shalt  }
0x5a: {  	_ =	shalt  }
0x5b: {  	_ =	shalt  }
0x5c: {  	_ =	shalt  }
0x5d: {  	_ =	shalt  }
0x5e: {  	_ =	shalt  }
0x5f: {  	_ =	shalt  }
0x60: {  	_ =	shalt  }
0x61: {  	_ =	shalt  }
0x62: {  	_ =	shalt  }
0x63: {  	_ =	shalt  }
0x64: {  	_ =	shalt  }
0x65: {  	_ =	shalt  }
0x66: {  	_ =	shalt  }
0x67: {  	_ =	shalt  }
0x68: {  	_ =	shalt  }
0x69: {  	_ =	shalt  }
0x6a: {  	_ =	shalt  }
0x6b: {  	_ =	shalt  }
0x6c: {  	_ =	shalt  }
0x6d: {  	_ =	shalt  }
0x6e: {  	_ =	shalt  }
0x6f: {  	_ =	shalt  }
0x70: {  	_ =	shalt  }
0x71: {  	_ =	shalt  }
0x72: {  	_ =	shalt  }
0x73: {  	_ =	shalt  }
0x74: {  	_ =	shalt  }
0x75: {  	_ =	shalt  }
0x76: {  	_ =	shalt  }
0x77: {  	_ =	shalt  }
0x78: {  	_ =	shalt  }
0x79: {  	_ =	shalt  }
0x7a: {  	_ =	shalt  }
0x7b: {  	_ =	shalt  }
0x7c: {  	_ =	shalt  }
0x7d: {  	_ =	shalt  }
0x7e: {  	_ =	shalt  }
0x7f: {  	_ =	shalt  }
0x80: {  	_ =	shalt  }
0x81: {  	_ =	shalt  }
0x82: {  	_ =	shalt  }
0x83: {  	_ =	shalt  }
0x84: {  	_ =	shalt  }
0x85: {  	_ =	shalt  }
0x86: {  	_ =	shalt  }
0x87: {  	_ =	shalt  }
.Lfunc_end0:
.L_simem_size_0:
called_computation_lowered:
.L_overlay_start_0:
0x88: {  	s2 =	sld [smem:$0x3FD9]  }
0x89: {  	s3 =	sld [smem:$0x3FFE];
	_ =	sdelay $0x1  }
0x8a: {  	s1 =	srdreg.scid  }
0x8b: {  	s0 =	sand.u32 $0x1, s1  }
0x8c: {  	s15 =	sshll.u32 s0, $0xA;
	s2 =	sadd.s32 s3, s2  }
0x8d: {  	s2 =	sadd.s32 s2, s15  }
0x8e: {  	[smem:$0x3FC3] =	sst s2  }
0x8f: {  	_ = 	snop  }
0x90: {  	s2 =	sld [smem:$0x3FD0];
	_ =	sdelay $0x2  }
0x91: {  	s4 =	simm.s32 $0xA;
	s5 =	simm.s32 $0x10;
	s16 =	sld [smem:$0x3FC9]  }
0x92: {  	[smem:s5], [sflag:s4] =	dma.local [hbm:s2], $0x1  }
0x93: {  	_ =	swait.eq [sflag:s4], $0x1  }
0x94: {  	[sflag:s4] =	ssyncset.done $0x0  }
0x95: {  	[sflag:s4] =	ssyncadd.s32 $0xFFFFFFFF  }
0x96: {  	s17 =	sld [smem:$0x11];
	(tm) =	ssettm $0x1  }
0x97: {  	s18 =	sld [smem:$0x3FFB];
	_ =	sdelay $0x3  }
0x98: {  	_ =	strace s18  }
0x99: {  	s4 =	sld [smem:$0x3FFC];
	_ =	sdelay $0x3  }
0x9a: {  	_ =	strace s4  }
0x9b: {  	s4 =	sld [smem:$0x3FFD];
	_ =	sdelay $0x3  }
0x9c: {  	_ =	strace s4  }
0x9d: {  	_ =	strace $0x8FFFFFFF  }
0x9e: {  	s19 =	sld [smem:$0x3FDB];
	_ =	sdelay $0x1  }
0x9f: {  	s20 =	simm.s32 $_scs_section_size  }
0xa0: {  	s6 =	simm.s32 $_size__tile_overlayer_lowered;
	s7 =	simm.s32 $_tile_overlayer_lowered  }
0xa1: {  	s23 =	simm.s32 $0x1BFF;
	s22 =	sshll.u32 s7, $0x1;
	s4 =	sadd.s32 s20, s19  }
0xa2: {  	s8 =	simm.s32 $0x0;
	s21 =	sshll.u32 s6, $0x1;
	s6 =	sadd.s32 s22, s4  }
0xa3: {  	[timem:s8], [sflag:s23] =	dma.local [hbm:s6], s21  }
0xa4: {  	_ =	swait.ge [sflag:s23], s21  }
0xa5: {  	s5 =	ssub.s32 $0x0, s21;
	[sflag:s23] =	ssyncset.done $0x0  }
0xa6: {  	[sflag:s23] =	ssyncadd.s32 s5;
	_ =	sdelay $0x1  }
0xa7: {  	s24 =	simm.s32 $0x1B8B  }
0xa8: {  	_ =	swait.ge [sflag:s24], $0x1  }
0xa9: {  	[sflag:s24] =	ssyncset.done $0x0  }
0xaa: {  	s25 =	simm.s32 $0x1B8E;
	[sflag:s24] =	ssyncadd.s32 $0xFFFFFFFF  }
0xab: {  	s26 =	simm.s32 $execute0_lowered;
	[smem:$0x3FD2] =	sst s25  }
0xac: {  	s5 =	sshll.u32 s26, $0x1;
	_ =	strace $0x80000046;
	[dreg:$0x1] =	wrdreg $0xFFFFFFFF  }
0xad: {  	s28 =	simm.s32 $_size_execute0_lowered;
	s4 =	sadd.s32 s4, s5;
	[dreg:$0x0] =	wrdreg $0x0  }
0xae: {  	s5 =	sshll.u32 s28, $0x1;
	[dreg:$0x2] =	wrdreg s4  }
0xaf: {  	[dreg:$0x3] =	wrdreg s5  }
0xb0: {  	[dreg:$0x4] =	wrdreg $0xC0  }
0xb1: {  	_ =	task [dreg:s8], $0x5FFFF  }
0xb2: {  	[dreg:$0x1] =	wrdreg $0xFFFFFFFF  }
0xb3: {  	[dreg:$0x0] =	wrdreg $0x60  }
0xb4: {  	[dreg:$0x2] =	wrdreg s16  }
0xb5: {  	[dreg:$0x3] =	wrdreg s17  }
0xb6: {  	[dreg:$0x4] =	wrdreg $0x9  }
0xb7: {  	_ =	task.clear_ibuf [dreg:s8], $0x5FFFF;
	_ =	strace $0x90000046  }
0xb8: {  	s29 =	simm.s32 $0x9;
	_ =	strace $0x80000048  }
0xb9: {  	_ =	swait.ge [sflag:s29], $0x1  }
0xba: {  	[sflag:s29] =	ssyncadd.s32 $0xFFFFFFFF  }
0xbb: {  	_ =	strace $0x90000048  }
0xbc: {  	_ =	sfence  }
0xbd: {  	s30 =	sld [smem:$0x0];
	_ =	sdelay $0x2  }
0xbe: {  	s31 =	sshll.u32 s1, $0xD;
	s1 =	sshrl.u32 s1, $0x2  }
0xbf: {  	s3 =	sand.u32 $0x4000, s31;
	s1 =	sadd.s32 s1, s30  }
0xc0: {  	s0 =	sor.u32 s3, s0;
	s1 =	sshll.u32 s1, $0x11  }
0xc1: {  	s0 =	sor.u32 s1, s0  }
0xc2: {  	s0 =	sadd.s32 $0x8F2B, s0  }
0xc3: {  	[sflag:s0] =	ssyncadd.remote.s32 $0x1  }
0xc4: {  	_ =	sfence.sel $0xFFFF  }
0xc5: {  	[dreg:$0x0] =	wrdreg $0xFFFFFFFF;
	(pc) =	sbr.abs _section_cstart, $3  }
0xc6: {  	[dreg:$0x1] =	wrdreg $0xFFFFFFFF  }
0xc7: {  	_ =	task.clear_ibuf [dreg:s8], $0x2FFFF;
	_ =	strace $0x9FFFFFFF  }
0xc8: {  	(tm) =	ssettm $0x7FFFFFFF  }
0xc9: {  	_ =	shalt  }
tec
execute0_lowered:
.L_overlay_start_1:
0x0: {  	(tag) =	ssettag $0x1  }
0x1: {  	s1 =	srdreg.scid  }
0x2: {  	s0 =	stileid.u32;
	s3 =	sand.u32 $0x1, s1  }
0x3: {  	s4 =	rddreg [dreg:$0x0];
	s30 =	sshll.u32 s0, $0x5;
	s2 =	sshll.u32 s3, $0x4  }
0x4: {  	s5 =	rddreg [dreg:$0x1];
	s6 =	sor.u32 s2, s30  }
0x5: {  	s1 =	rddreg [dreg:$0x2];
	s7 =	ssub.s32 $0x2, s3;
	s6 =	smul.u32 $0x300, s6  }
0x6: {  	s3 =	simm.s32 $0x1;
	s2 =	simm.s32 $0x0;
	s8 =	sshrl.u32 s7, $0x1  }
0x7: {  	[smem:$0x7FF] =	sst s2;
	s7 =	ssub.s32 s7, s8;
	s4 =	sadd.s32 s6, s4  }
0x8: {  	_ =	strace $0x80000047;
	s31 =	smax.u32 s7, $0x1;
	s4 =	sadd.s32 $0x120000, s4  }
0x9: {  	[tilespmem:s2], [sflag:$0x1] =	stream.linear.gather [hbm4b:s4+s2], $0x18000, $0x38;
	[tilespmem:$0x18000] =	vst v63  }
0xa: {  	p0 =	sne.s32 s31, $0x1;
	_ =	swait.ge [sflag:s3], $0x18000  }
.Ltmp0:
0xb: {  	[sflag:s3] =	ssyncset.done $0x0;
	(pc) =	sbr.rel @!p0 .LBB2_2-.Ltmp0, $4  }
0xc: {  	s5 =	sadd.s32 s5, s6;
	[sflag:s3] =	ssyncadd.s32 $0xFFFE8000  }
0xd: {  	[hbm4b:s5+s2] =	stream.linear.scatter [tilespmem:s2], [sflag:$0x1], $0x18000, $0x38;
	[tilespmem:$0x18000] =	vst v63  }
0xe: {  	_ =	swait.ge [sflag:s3], $0x18000  }
0xf: {  	s6 =	sadd.s32 $0xFFFFFFFF, s31;
	[sflag:s3] =	ssyncset.done $0x0  }
.LBB2_1:
0x10: {  	p0 =	sne.s32 s6, $0x1;
	s6 =	sadd.s32 $0xFFFFFFFF, s6;
	[sflag:s3] =	ssyncadd.s32 $0xFFFE8000  }
0x11: {  	[tilespmem:s2], [sflag:$0x1] =	stream.linear.gather [hbm4b:s4+s2], $0x18000, $0x38;
	[tilespmem:$0x18000] =	vst v63  }
0x12: {  	_ =	swait.ge [sflag:s3], $0x18000  }
.Ltmp1:
0x13: {  	[sflag:s3] =	ssyncset.done $0x0;
	(pc) =	sbr.rel @p0 .LBB2_1-.Ltmp1, $4  }
0x14: {  	[sflag:s3] =	ssyncadd.s32 $0xFFFE8000  }
0x15: {  	[hbm4b:s5+s2] =	stream.linear.scatter [tilespmem:s2], [sflag:$0x1], $0x18000, $0x38;
	[tilespmem:$0x18000] =	vst v63  }
0x16: {  	_ =	swait.ge [sflag:s3], $0x18000  }
0x17: {  	[sflag:s3] =	ssyncset.done $0x0  }
.LBB2_2:
0x18: {  	[sflag:s3] =	ssyncadd.s32 $0xFFFE8000  }
0x19: {  	_ =	sfence.sel $0x180000  }
0x1a: {  	[bflag:$0x0] =	sbarrier.arrive $0xFFFF  }
0x1b: {  	p0 =	sne.s32 s0, $0x0;
	_ =	strace $0x90000047  }
0x1c: {  	s0 =	sadd.s32 @!p0 $0x100000, s1;
	[bflag:$0x2] =	sbarrier.arrive $0xFFFF  }
0x1d: {  	[sflag:s0] =	ssyncadd.tile.s32 @!p0 $0x1;
	_ =	shalt  }
.Lfunc_end2:
_tile_overlayer_lowered:
.L_overlay_start_2:
0x1e: {  	(tag) =	ssettag $0x2  }
0x1f: {  	s0 =	rddreg [dreg:$0x0];
	s2 =	stileid.u32  }
0x20: {  	s1 =	rddreg [dreg:$0x1];
	p0 =	sne.s32 s2, $0x0  }
0x21: {  	s3 =	rddreg [dreg:$0x2];
	[bflag:$0x3] =	sbarrier.arrive $0xFFFF;
	s2 =	simm.s32 @!p0 $0x1C02  }
0x22: {  	[timem:s3], [sflag:s2] =	dma.local @!p0 [hbm:s0], s1  }
0x23: {  	s0 =	simm.s32 @!p0 $0x2  }
0x24: {  	_ =	swait.ge @!p0 [sflag:s0], s1  }
0x25: {  	s1 =	ssub.s32 @!p0 $0x0, s1;
	[sflag:s0] =	ssyncset.done @!p0 $0x0  }
0x26: {  	[sflag:s0] =	ssyncadd.s32 @!p0 s1  }
0x27: {  	[bflag:$0x3] =	sbarrier.arrive $0xFFFF  }
0x28: {  	_ =	shalt  }

</sc_bundles>
